<compile_context>
chip_gen: v7x
topology: tpu7x:2x2x1
jax: 0.10.2.dev20260603
libtpu: 0.0.44.dev20260713+nightly
codegen_flags: <defaults>
</compile_context>

<pallas_src>
import functools

import jax
import jax.numpy as jnp
from jax import lax
from jax.experimental import pallas as pl
from jax.experimental.pallas import tpu as pltpu
from jax.experimental.pallas import tpu_sc as plsc

_L = 16
_NC = 2
_NS = 16
_NW = _NC * _NS
_ICHUNK = 128


def _tc_body(ptt_ref, ntt_ref, w_ref, b_ref, p_ref, n_ref):
    h = ptt_ref.shape[0]
    br = ptt_ref.shape[1]
    w = w_ref[...]
    dn = (((1,), (0,)), ((), ()))
    p = lax.dot_general(w[:, :h], ptt_ref[...], dn,
                        preferred_element_type=jnp.float32)
    n = lax.dot_general(w[:, h:], ntt_ref[...], dn,
                        preferred_element_type=jnp.float32)
    p_ref[...] = (p + b_ref[0, 0]).reshape(br)
    n_ref[...] = n.reshape(br)


@functools.lru_cache(maxsize=None)
def _build_tc(R, H, BR):
    nblk = (R + BR - 1) // BR
    rpad = nblk * BR
    return pl.pallas_call(
        _tc_body,
        grid=(nblk,),
        in_specs=[
            pl.BlockSpec((H, BR), lambda i: (0, i)),
            pl.BlockSpec((H, BR), lambda i: (0, i)),
            pl.BlockSpec((1, 2 * H), lambda i: (0, 0)),
            pl.BlockSpec((1, 1), lambda i: (0, 0)),
        ],
        out_specs=[
            pl.BlockSpec((BR,), lambda i: (i,)),
            pl.BlockSpec((BR,), lambda i: (i,)),
        ],
        out_shape=[
            jax.ShapeDtypeStruct((rpad,), jnp.float32),
            jax.ShapeDtypeStruct((rpad,), jnp.float32),
        ],
    )


@functools.lru_cache(maxsize=None)
def _build_sc(B):
    bpw = B // _NW
    n_ichunks = bpw // _ICHUNK
    mesh = plsc.VectorSubcoreMesh(core_axis_name="c", subcore_axis_name="s")

    @functools.partial(
        pl.kernel,
        mesh=mesh,
        out_type=jax.ShapeDtypeStruct((B,), jnp.float32),
        compiler_params=pltpu.CompilerParams(
            needs_layout_passes=False, use_tc_tiling_on_sc=False
        ),
        scratch_types=[
            pltpu.VMEM((bpw,), jnp.int32),
            pltpu.VMEM((bpw,), jnp.int32),
            pltpu.VMEM((bpw,), jnp.float32),
            pltpu.VMEM((bpw,), jnp.float32),
            pltpu.VMEM((bpw,), jnp.float32),
            pltpu.SemaphoreType.DMA,
        ],
    )
    def sc_kernel(xt_hbm, p_hbm, n_hbm, out_hbm,
                  piv, niv, pv, nv, ov, sem):
        wid = lax.axis_index("s") * _NC + lax.axis_index("c")
        base = wid * bpw

        pltpu.sync_copy(xt_hbm.at[0, pl.ds(base, bpw)], piv)
        pltpu.sync_copy(xt_hbm.at[1, pl.ds(base, bpw)], niv)

        copies = []
        for c in range(n_ichunks):
            sl = pl.ds(c * _ICHUNK, _ICHUNK)
            copies.append(pltpu.async_copy(p_hbm.at[piv.at[sl]], pv.at[sl], sem))
            copies.append(pltpu.async_copy(n_hbm.at[niv.at[sl]], nv.at[sl], sem))
        for cp in copies:
            cp.wait()

        def add_body(g, carry):
            sl = pl.ds(g * _L, _L)
            ov[sl] = pv[sl] + nv[sl]
            return carry
        lax.fori_loop(0, bpw // _L, add_body, 0)

        pltpu.sync_copy(ov, out_hbm.at[pl.ds(base, bpw)])

    return sc_kernel


def kernel(x, emb_proton, emb_neutron, W, b):
    B = x.shape[0]
    R, H = emb_proton.shape
    p, n = _build_tc(R, H, 16384)(emb_proton.T, emb_neutron.T,
                                 W.reshape(1, 2 * H), b.reshape(1, 1))
    out = _build_sc(B)(x.T, p, n)
    return out.reshape(B, 1)

# --- scband reference (transcript-rebuilt; emitter-appended) ---
"""Pipeline reference for scband-basic-linear-67310727463644 (READ-ONLY COPY).

The authoritative reference and input builder live on the scoring server;
editing this copy changes nothing except your own understanding.
"""

import jax, jax.numpy as jnp
import numpy as np

N_PROTONS = 100000
N_NEUTRONS = 100000
HIDDEN = 64
BATCH = 16384

def setup_inputs(seed: int = 0) -> dict:
    key = jax.random.key(seed)
    k1, k2, k3, k4, k5 = jax.random.split(key, 5)
    x = jax.random.randint(k1, (BATCH, 2), 0, N_PROTONS, dtype=jnp.int64) if jax.config.jax_enable_x64 else jax.random.randint(k1, (BATCH, 2), 0, N_PROTONS).astype(jnp.int32)
    emb_proton = jax.random.uniform(k2, (N_PROTONS, HIDDEN), dtype=jnp.float32, minval=-1.0, maxval=1.0)
    emb_neutron = jax.random.uniform(k3, (N_NEUTRONS, HIDDEN), dtype=jnp.float32, minval=-1.0, maxval=1.0)
    bound = 1.0 / np.sqrt(2 * HIDDEN)
    W = jax.random.uniform(k4, (1, 2 * HIDDEN), dtype=jnp.float32, minval=-bound, maxval=bound)
    b = jax.random.uniform(k5, (1,), dtype=jnp.float32, minval=-bound, maxval=bound)
    return {"x": x, "emb_proton": emb_proton, "emb_neutron": emb_neutron, "W": W, "b": b}

def reference(x, emb_proton, emb_neutron, W, b):
    proton = jnp.take(emb_proton, x[:, 0], axis=0)
    neutron = jnp.take(emb_neutron, x[:, 1], axis=0)
    h = jnp.concatenate([proton, neutron], axis=1)
    out = h @ W.T + b
    return out

if __name__ == "__main__":
    import jax
    _d = setup_inputs()
    print(jax.jit(kernel)(*tuple(_d.values())))

</pallas_src>

<mosaic_0001>
#map = affine_map<(d0, d1) -> (0, 0)>
#map1 = affine_map<(d0, d1) -> (0)>
module attributes {stable_mosaic.version = 14 : i64} {
  func.func @sc_kernel(%arg0: i32, %arg1: i32, %arg2: memref<2x16384xi32, #tpu.memory_space<hbm>>, %arg3: memref<114688xf32, #tpu.memory_space<hbm>>, %arg4: memref<114688xf32, #tpu.memory_space<hbm>>, %arg5: memref<16384xf32, #tpu.memory_space<hbm>>, %arg6: memref<512xi32, #tpu.memory_space<vmem>>, %arg7: memref<512xi32, #tpu.memory_space<vmem>>, %arg8: memref<512xf32, #tpu.memory_space<vmem>>, %arg9: memref<512xf32, #tpu.memory_space<vmem>>, %arg10: memref<512xf32, #tpu.memory_space<vmem>>, %arg11: memref<!tpu.dma_semaphore, #tpu.memory_space<semaphore_mem>>) attributes {dimension_semantics = [#tpu.dimension_semantics<core_parallel>, #tpu.dimension_semantics<subcore_parallel>], iteration_bounds = array<i64: 2, 16>, scalar_prefetch = 0 : i64, scratch_operands = 6 : i64, tpu.core_type = #tpu.core_type<sc_vector_subcore>, window_params = [{transform_indices = #map}, {transform_indices = #map1}, {transform_indices = #map1}, {transform_indices = #map1}]} {
    %mul3A = arith.constant 2 : i32
    %mul3A_0 = arith.muli %arg1, %mul3A : i32
    %add3A = arith.addi %mul3A_0, %arg0 : i32
    %mul3A_1 = arith.constant 512 : i32
    %mul3A_2 = arith.muli %add3A, %mul3A_1 : i32
    %run_scoped3A = arith.constant 0 : i32
    "tpu.region"() ({
      %run_scoped3A_103 = tpu.sem_alloc : memref<!tpu.dma_semaphore, #tpu.memory_space<semaphore_mem>>
      %dma_start3A_104 = tpu.memref_slice %arg2[%run_scoped3A, %mul3A_2] : memref<2x16384xi32, #tpu.memory_space<hbm>> -> memref<1x512xi32, #tpu.memory_space<hbm>>
      %dma_start3A_105 = tpu.memref_squeeze %dma_start3A_104 : memref<1x512xi32, #tpu.memory_space<hbm>> -> memref<512xi32, #tpu.memory_space<hbm>>
      %dma_start3A_106 = tpu.memref_slice %arg2[%run_scoped3A, %mul3A_2] : memref<2x16384xi32, #tpu.memory_space<hbm>> -> memref<1x512xi32, #tpu.memory_space<hbm>>
      %dma_start3A_107 = tpu.memref_squeeze %dma_start3A_106 : memref<1x512xi32, #tpu.memory_space<hbm>> -> memref<512xi32, #tpu.memory_space<hbm>>
      tpu.enqueue_dma source(%dma_start3A_107 : memref<512xi32, #tpu.memory_space<hbm>>) target(%arg6 : memref<512xi32, #tpu.memory_space<vmem>>) target_semaphore(%run_scoped3A_103 : memref<!tpu.dma_semaphore, #tpu.memory_space<semaphore_mem>>)
      %dma_wait3A_108 = tpu.memref_slice %arg2[%run_scoped3A, %mul3A_2] : memref<2x16384xi32, #tpu.memory_space<hbm>> -> memref<1x512xi32, #tpu.memory_space<hbm>>
      %dma_wait3A_109 = tpu.memref_squeeze %dma_wait3A_108 : memref<1x512xi32, #tpu.memory_space<hbm>> -> memref<512xi32, #tpu.memory_space<hbm>>
      %dma_wait3A_110 = tpu.memref_slice %arg2[%run_scoped3A, %mul3A_2] : memref<2x16384xi32, #tpu.memory_space<hbm>> -> memref<1x512xi32, #tpu.memory_space<hbm>>
      %dma_wait3A_111 = tpu.memref_squeeze %dma_wait3A_110 : memref<1x512xi32, #tpu.memory_space<hbm>> -> memref<512xi32, #tpu.memory_space<hbm>>
      tpu.wait_dma2 semaphore(%run_scoped3A_103 : memref<!tpu.dma_semaphore, #tpu.memory_space<semaphore_mem>>) src(%dma_wait3A_111 : memref<512xi32, #tpu.memory_space<hbm>>) dst(%arg6 : memref<512xi32, #tpu.memory_space<vmem>>)
      tpu.yield
    }) : () -> ()
    %run_scoped3A_3 = arith.constant 1 : i32
    "tpu.region"() ({
      %run_scoped3A_103 = tpu.sem_alloc : memref<!tpu.dma_semaphore, #tpu.memory_space<semaphore_mem>>
      %dma_start3A_104 = tpu.memref_slice %arg2[%run_scoped3A_3, %mul3A_2] : memref<2x16384xi32, #tpu.memory_space<hbm>> -> memref<1x512xi32, #tpu.memory_space<hbm>>
      %dma_start3A_105 = tpu.memref_squeeze %dma_start3A_104 : memref<1x512xi32, #tpu.memory_space<hbm>> -> memref<512xi32, #tpu.memory_space<hbm>>
      %dma_start3A_106 = tpu.memref_slice %arg2[%run_scoped3A_3, %mul3A_2] : memref<2x16384xi32, #tpu.memory_space<hbm>> -> memref<1x512xi32, #tpu.memory_space<hbm>>
      %dma_start3A_107 = tpu.memref_squeeze %dma_start3A_106 : memref<1x512xi32, #tpu.memory_space<hbm>> -> memref<512xi32, #tpu.memory_space<hbm>>
      tpu.enqueue_dma source(%dma_start3A_107 : memref<512xi32, #tpu.memory_space<hbm>>) target(%arg7 : memref<512xi32, #tpu.memory_space<vmem>>) target_semaphore(%run_scoped3A_103 : memref<!tpu.dma_semaphore, #tpu.memory_space<semaphore_mem>>)
      %dma_wait3A_108 = tpu.memref_slice %arg2[%run_scoped3A_3, %mul3A_2] : memref<2x16384xi32, #tpu.memory_space<hbm>> -> memref<1x512xi32, #tpu.memory_space<hbm>>
      %dma_wait3A_109 = tpu.memref_squeeze %dma_wait3A_108 : memref<1x512xi32, #tpu.memory_space<hbm>> -> memref<512xi32, #tpu.memory_space<hbm>>
      %dma_wait3A_110 = tpu.memref_slice %arg2[%run_scoped3A_3, %mul3A_2] : memref<2x16384xi32, #tpu.memory_space<hbm>> -> memref<1x512xi32, #tpu.memory_space<hbm>>
      %dma_wait3A_111 = tpu.memref_squeeze %dma_wait3A_110 : memref<1x512xi32, #tpu.memory_space<hbm>> -> memref<512xi32, #tpu.memory_space<hbm>>
      tpu.wait_dma2 semaphore(%run_scoped3A_103 : memref<!tpu.dma_semaphore, #tpu.memory_space<semaphore_mem>>) src(%dma_wait3A_111 : memref<512xi32, #tpu.memory_space<hbm>>) dst(%arg7 : memref<512xi32, #tpu.memory_space<vmem>>)
      tpu.yield
    }) : () -> ()
    %dma_start3A = arith.constant 0 : i32
    %dma_start3A_4 = tpu.memref_slice %arg8[%dma_start3A] : memref<512xf32, #tpu.memory_space<vmem>> -> memref<128xf32, #tpu.memory_space<vmem>>
    %dma_start3A_5 = arith.constant 0 : i32
    %dma_start3A_6 = tpu.memref_slice %arg6[%dma_start3A_5] : memref<512xi32, #tpu.memory_space<vmem>> -> memref<128xi32, #tpu.memory_space<vmem>>
    %dma_start3A_7 = arith.constant 0 : i32
    %dma_start3A_8 = tpu.memref_slice %arg3[%dma_start3A_7] : memref<114688xf32, #tpu.memory_space<hbm>> -> memref<114688xf32, #tpu.memory_space<hbm>>
    tpu.enqueue_indirect_dma source(%dma_start3A_8 : memref<114688xf32, #tpu.memory_space<hbm>>) target(%dma_start3A_4 : memref<128xf32, #tpu.memory_space<vmem>>) offsets(%dma_start3A_6 : memref<128xi32, #tpu.memory_space<vmem>>) semaphore(%arg11 : memref<!tpu.dma_semaphore, #tpu.memory_space<semaphore_mem>>)
    %dma_start3A_9 = arith.constant 0 : i32
    %dma_start3A_10 = tpu.memref_slice %arg9[%dma_start3A_9] : memref<512xf32, #tpu.memory_space<vmem>> -> memref<128xf32, #tpu.memory_space<vmem>>
    %dma_start3A_11 = arith.constant 0 : i32
    %dma_start3A_12 = tpu.memref_slice %arg7[%dma_start3A_11] : memref<512xi32, #tpu.memory_space<vmem>> -> memref<128xi32, #tpu.memory_space<vmem>>
    %dma_start3A_13 = arith.constant 0 : i32
    %dma_start3A_14 = tpu.memref_slice %arg4[%dma_start3A_13] : memref<114688xf32, #tpu.memory_space<hbm>> -> memref<114688xf32, #tpu.memory_space<hbm>>
    tpu.enqueue_indirect_dma source(%dma_start3A_14 : memref<114688xf32, #tpu.memory_space<hbm>>) target(%dma_start3A_10 : memref<128xf32, #tpu.memory_space<vmem>>) offsets(%dma_start3A_12 : memref<128xi32, #tpu.memory_space<vmem>>) semaphore(%arg11 : memref<!tpu.dma_semaphore, #tpu.memory_space<semaphore_mem>>)
    %dma_start3A_15 = arith.constant 128 : i32
    %dma_start3A_16 = tpu.memref_slice %arg8[%dma_start3A_15] : memref<512xf32, #tpu.memory_space<vmem>> -> memref<128xf32, #tpu.memory_space<vmem>>
    %dma_start3A_17 = arith.constant 128 : i32
    %dma_start3A_18 = tpu.memref_slice %arg6[%dma_start3A_17] : memref<512xi32, #tpu.memory_space<vmem>> -> memref<128xi32, #tpu.memory_space<vmem>>
    %dma_start3A_19 = arith.constant 0 : i32
    %dma_start3A_20 = tpu.memref_slice %arg3[%dma_start3A_19] : memref<114688xf32, #tpu.memory_space<hbm>> -> memref<114688xf32, #tpu.memory_space<hbm>>
    tpu.enqueue_indirect_dma source(%dma_start3A_20 : memref<114688xf32, #tpu.memory_space<hbm>>) target(%dma_start3A_16 : memref<128xf32, #tpu.memory_space<vmem>>) offsets(%dma_start3A_18 : memref<128xi32, #tpu.memory_space<vmem>>) semaphore(%arg11 : memref<!tpu.dma_semaphore, #tpu.memory_space<semaphore_mem>>)
    %dma_start3A_21 = arith.constant 128 : i32
    %dma_start3A_22 = tpu.memref_slice %arg9[%dma_start3A_21] : memref<512xf32, #tpu.memory_space<vmem>> -> memref<128xf32, #tpu.memory_space<vmem>>
    %dma_start3A_23 = arith.constant 128 : i32
    %dma_start3A_24 = tpu.memref_slice %arg7[%dma_start3A_23] : memref<512xi32, #tpu.memory_space<vmem>> -> memref<128xi32, #tpu.memory_space<vmem>>
    %dma_start3A_25 = arith.constant 0 : i32
    %dma_start3A_26 = tpu.memref_slice %arg4[%dma_start3A_25] : memref<114688xf32, #tpu.memory_space<hbm>> -> memref<114688xf32, #tpu.memory_space<hbm>>
    tpu.enqueue_indirect_dma source(%dma_start3A_26 : memref<114688xf32, #tpu.memory_space<hbm>>) target(%dma_start3A_22 : memref<128xf32, #tpu.memory_space<vmem>>) offsets(%dma_start3A_24 : memref<128xi32, #tpu.memory_space<vmem>>) semaphore(%arg11 : memref<!tpu.dma_semaphore, #tpu.memory_space<semaphore_mem>>)
    %dma_start3A_27 = arith.constant 256 : i32
    %dma_start3A_28 = tpu.memref_slice %arg8[%dma_start3A_27] : memref<512xf32, #tpu.memory_space<vmem>> -> memref<128xf32, #tpu.memory_space<vmem>>
    %dma_start3A_29 = arith.constant 256 : i32
    %dma_start3A_30 = tpu.memref_slice %arg6[%dma_start3A_29] : memref<512xi32, #tpu.memory_space<vmem>> -> memref<128xi32, #tpu.memory_space<vmem>>
    %dma_start3A_31 = arith.constant 0 : i32
    %dma_start3A_32 = tpu.memref_slice %arg3[%dma_start3A_31] : memref<114688xf32, #tpu.memory_space<hbm>> -> memref<114688xf32, #tpu.memory_space<hbm>>
    tpu.enqueue_indirect_dma source(%dma_start3A_32 : memref<114688xf32, #tpu.memory_space<hbm>>) target(%dma_start3A_28 : memref<128xf32, #tpu.memory_space<vmem>>) offsets(%dma_start3A_30 : memref<128xi32, #tpu.memory_space<vmem>>) semaphore(%arg11 : memref<!tpu.dma_semaphore, #tpu.memory_space<semaphore_mem>>)
    %dma_start3A_33 = arith.constant 256 : i32
    %dma_start3A_34 = tpu.memref_slice %arg9[%dma_start3A_33] : memref<512xf32, #tpu.memory_space<vmem>> -> memref<128xf32, #tpu.memory_space<vmem>>
    %dma_start3A_35 = arith.constant 256 : i32
    %dma_start3A_36 = tpu.memref_slice %arg7[%dma_start3A_35] : memref<512xi32, #tpu.memory_space<vmem>> -> memref<128xi32, #tpu.memory_space<vmem>>
    %dma_start3A_37 = arith.constant 0 : i32
    %dma_start3A_38 = tpu.memref_slice %arg4[%dma_start3A_37] : memref<114688xf32, #tpu.memory_space<hbm>> -> memref<114688xf32, #tpu.memory_space<hbm>>
    tpu.enqueue_indirect_dma source(%dma_start3A_38 : memref<114688xf32, #tpu.memory_space<hbm>>) target(%dma_start3A_34 : memref<128xf32, #tpu.memory_space<vmem>>) offsets(%dma_start3A_36 : memref<128xi32, #tpu.memory_space<vmem>>) semaphore(%arg11 : memref<!tpu.dma_semaphore, #tpu.memory_space<semaphore_mem>>)
    %dma_start3A_39 = arith.constant 384 : i32
    %dma_start3A_40 = tpu.memref_slice %arg8[%dma_start3A_39] : memref<512xf32, #tpu.memory_space<vmem>> -> memref<128xf32, #tpu.memory_space<vmem>>
    %dma_start3A_41 = arith.constant 384 : i32
    %dma_start3A_42 = tpu.memref_slice %arg6[%dma_start3A_41] : memref<512xi32, #tpu.memory_space<vmem>> -> memref<128xi32, #tpu.memory_space<vmem>>
    %dma_start3A_43 = arith.constant 0 : i32
    %dma_start3A_44 = tpu.memref_slice %arg3[%dma_start3A_43] : memref<114688xf32, #tpu.memory_space<hbm>> -> memref<114688xf32, #tpu.memory_space<hbm>>
    tpu.enqueue_indirect_dma source(%dma_start3A_44 : memref<114688xf32, #tpu.memory_space<hbm>>) target(%dma_start3A_40 : memref<128xf32, #tpu.memory_space<vmem>>) offsets(%dma_start3A_42 : memref<128xi32, #tpu.memory_space<vmem>>) semaphore(%arg11 : memref<!tpu.dma_semaphore, #tpu.memory_space<semaphore_mem>>)
    %dma_start3A_45 = arith.constant 384 : i32
    %dma_start3A_46 = tpu.memref_slice %arg9[%dma_start3A_45] : memref<512xf32, #tpu.memory_space<vmem>> -> memref<128xf32, #tpu.memory_space<vmem>>
    %dma_start3A_47 = arith.constant 384 : i32
    %dma_start3A_48 = tpu.memref_slice %arg7[%dma_start3A_47] : memref<512xi32, #tpu.memory_space<vmem>> -> memref<128xi32, #tpu.memory_space<vmem>>
    %dma_start3A_49 = arith.constant 0 : i32
    %dma_start3A_50 = tpu.memref_slice %arg4[%dma_start3A_49] : memref<114688xf32, #tpu.memory_space<hbm>> -> memref<114688xf32, #tpu.memory_space<hbm>>
    tpu.enqueue_indirect_dma source(%dma_start3A_50 : memref<114688xf32, #tpu.memory_space<hbm>>) target(%dma_start3A_46 : memref<128xf32, #tpu.memory_space<vmem>>) offsets(%dma_start3A_48 : memref<128xi32, #tpu.memory_space<vmem>>) semaphore(%arg11 : memref<!tpu.dma_semaphore, #tpu.memory_space<semaphore_mem>>)
    %dma_wait3A = arith.constant 0 : i32
    %dma_wait3A_51 = tpu.memref_slice %arg8[%dma_wait3A] : memref<512xf32, #tpu.memory_space<vmem>> -> memref<128xf32, #tpu.memory_space<vmem>>
    %dma_wait3A_52 = arith.constant 0 : i32
    %dma_wait3A_53 = tpu.memref_slice %arg6[%dma_wait3A_52] : memref<512xi32, #tpu.memory_space<vmem>> -> memref<128xi32, #tpu.memory_space<vmem>>
    %dma_wait3A_54 = arith.constant 0 : i32
    %dma_wait3A_55 = tpu.memref_slice %arg3[%dma_wait3A_54] : memref<114688xf32, #tpu.memory_space<hbm>> -> memref<114688xf32, #tpu.memory_space<hbm>>
    tpu.wait_indirect_dma semaphore(%arg11 : memref<!tpu.dma_semaphore, #tpu.memory_space<semaphore_mem>>) src(%dma_wait3A_55 : memref<114688xf32, #tpu.memory_space<hbm>>) dst(%dma_wait3A_51 : memref<128xf32, #tpu.memory_space<vmem>>)
    %dma_wait3A_56 = arith.constant 0 : i32
    %dma_wait3A_57 = tpu.memref_slice %arg9[%dma_wait3A_56] : memref<512xf32, #tpu.memory_space<vmem>> -> memref<128xf32, #tpu.memory_space<vmem>>
    %dma_wait3A_58 = arith.constant 0 : i32
    %dma_wait3A_59 = tpu.memref_slice %arg7[%dma_wait3A_58] : memref<512xi32, #tpu.memory_space<vmem>> -> memref<128xi32, #tpu.memory_space<vmem>>
    %dma_wait3A_60 = arith.constant 0 : i32
    %dma_wait3A_61 = tpu.memref_slice %arg4[%dma_wait3A_60] : memref<114688xf32, #tpu.memory_space<hbm>> -> memref<114688xf32, #tpu.memory_space<hbm>>
    tpu.wait_indirect_dma semaphore(%arg11 : memref<!tpu.dma_semaphore, #tpu.memory_space<semaphore_mem>>) src(%dma_wait3A_61 : memref<114688xf32, #tpu.memory_space<hbm>>) dst(%dma_wait3A_57 : memref<128xf32, #tpu.memory_space<vmem>>)
    %dma_wait3A_62 = arith.constant 128 : i32
    %dma_wait3A_63 = tpu.memref_slice %arg8[%dma_wait3A_62] : memref<512xf32, #tpu.memory_space<vmem>> -> memref<128xf32, #tpu.memory_space<vmem>>
    %dma_wait3A_64 = arith.constant 128 : i32
    %dma_wait3A_65 = tpu.memref_slice %arg6[%dma_wait3A_64] : memref<512xi32, #tpu.memory_space<vmem>> -> memref<128xi32, #tpu.memory_space<vmem>>
    %dma_wait3A_66 = arith.constant 0 : i32
    %dma_wait3A_67 = tpu.memref_slice %arg3[%dma_wait3A_66] : memref<114688xf32, #tpu.memory_space<hbm>> -> memref<114688xf32, #tpu.memory_space<hbm>>
    tpu.wait_indirect_dma semaphore(%arg11 : memref<!tpu.dma_semaphore, #tpu.memory_space<semaphore_mem>>) src(%dma_wait3A_67 : memref<114688xf32, #tpu.memory_space<hbm>>) dst(%dma_wait3A_63 : memref<128xf32, #tpu.memory_space<vmem>>)
    %dma_wait3A_68 = arith.constant 128 : i32
    %dma_wait3A_69 = tpu.memref_slice %arg9[%dma_wait3A_68] : memref<512xf32, #tpu.memory_space<vmem>> -> memref<128xf32, #tpu.memory_space<vmem>>
    %dma_wait3A_70 = arith.constant 128 : i32
    %dma_wait3A_71 = tpu.memref_slice %arg7[%dma_wait3A_70] : memref<512xi32, #tpu.memory_space<vmem>> -> memref<128xi32, #tpu.memory_space<vmem>>
    %dma_wait3A_72 = arith.constant 0 : i32
    %dma_wait3A_73 = tpu.memref_slice %arg4[%dma_wait3A_72] : memref<114688xf32, #tpu.memory_space<hbm>> -> memref<114688xf32, #tpu.memory_space<hbm>>
    tpu.wait_indirect_dma semaphore(%arg11 : memref<!tpu.dma_semaphore, #tpu.memory_space<semaphore_mem>>) src(%dma_wait3A_73 : memref<114688xf32, #tpu.memory_space<hbm>>) dst(%dma_wait3A_69 : memref<128xf32, #tpu.memory_space<vmem>>)
    %dma_wait3A_74 = arith.constant 256 : i32
    %dma_wait3A_75 = tpu.memref_slice %arg8[%dma_wait3A_74] : memref<512xf32, #tpu.memory_space<vmem>> -> memref<128xf32, #tpu.memory_space<vmem>>
    %dma_wait3A_76 = arith.constant 256 : i32
    %dma_wait3A_77 = tpu.memref_slice %arg6[%dma_wait3A_76] : memref<512xi32, #tpu.memory_space<vmem>> -> memref<128xi32, #tpu.memory_space<vmem>>
    %dma_wait3A_78 = arith.constant 0 : i32
    %dma_wait3A_79 = tpu.memref_slice %arg3[%dma_wait3A_78] : memref<114688xf32, #tpu.memory_space<hbm>> -> memref<114688xf32, #tpu.memory_space<hbm>>
    tpu.wait_indirect_dma semaphore(%arg11 : memref<!tpu.dma_semaphore, #tpu.memory_space<semaphore_mem>>) src(%dma_wait3A_79 : memref<114688xf32, #tpu.memory_space<hbm>>) dst(%dma_wait3A_75 : memref<128xf32, #tpu.memory_space<vmem>>)
    %dma_wait3A_80 = arith.constant 256 : i32
    %dma_wait3A_81 = tpu.memref_slice %arg9[%dma_wait3A_80] : memref<512xf32, #tpu.memory_space<vmem>> -> memref<128xf32, #tpu.memory_space<vmem>>
    %dma_wait3A_82 = arith.constant 256 : i32
    %dma_wait3A_83 = tpu.memref_slice %arg7[%dma_wait3A_82] : memref<512xi32, #tpu.memory_space<vmem>> -> memref<128xi32, #tpu.memory_space<vmem>>
    %dma_wait3A_84 = arith.constant 0 : i32
    %dma_wait3A_85 = tpu.memref_slice %arg4[%dma_wait3A_84] : memref<114688xf32, #tpu.memory_space<hbm>> -> memref<114688xf32, #tpu.memory_space<hbm>>
    tpu.wait_indirect_dma semaphore(%arg11 : memref<!tpu.dma_semaphore, #tpu.memory_space<semaphore_mem>>) src(%dma_wait3A_85 : memref<114688xf32, #tpu.memory_space<hbm>>) dst(%dma_wait3A_81 : memref<128xf32, #tpu.memory_space<vmem>>)
    %dma_wait3A_86 = arith.constant 384 : i32
    %dma_wait3A_87 = tpu.memref_slice %arg8[%dma_wait3A_86] : memref<512xf32, #tpu.memory_space<vmem>> -> memref<128xf32, #tpu.memory_space<vmem>>
    %dma_wait3A_88 = arith.constant 384 : i32
    %dma_wait3A_89 = tpu.memref_slice %arg6[%dma_wait3A_88] : memref<512xi32, #tpu.memory_space<vmem>> -> memref<128xi32, #tpu.memory_space<vmem>>
    %dma_wait3A_90 = arith.constant 0 : i32
    %dma_wait3A_91 = tpu.memref_slice %arg3[%dma_wait3A_90] : memref<114688xf32, #tpu.memory_space<hbm>> -> memref<114688xf32, #tpu.memory_space<hbm>>
    tpu.wait_indirect_dma semaphore(%arg11 : memref<!tpu.dma_semaphore, #tpu.memory_space<semaphore_mem>>) src(%dma_wait3A_91 : memref<114688xf32, #tpu.memory_space<hbm>>) dst(%dma_wait3A_87 : memref<128xf32, #tpu.memory_space<vmem>>)
    %dma_wait3A_92 = arith.constant 384 : i32
    %dma_wait3A_93 = tpu.memref_slice %arg9[%dma_wait3A_92] : memref<512xf32, #tpu.memory_space<vmem>> -> memref<128xf32, #tpu.memory_space<vmem>>
    %dma_wait3A_94 = arith.constant 384 : i32
    %dma_wait3A_95 = tpu.memref_slice %arg7[%dma_wait3A_94] : memref<512xi32, #tpu.memory_space<vmem>> -> memref<128xi32, #tpu.memory_space<vmem>>
    %dma_wait3A_96 = arith.constant 0 : i32
    %dma_wait3A_97 = tpu.memref_slice %arg4[%dma_wait3A_96] : memref<114688xf32, #tpu.memory_space<hbm>> -> memref<114688xf32, #tpu.memory_space<hbm>>
    tpu.wait_indirect_dma semaphore(%arg11 : memref<!tpu.dma_semaphore, #tpu.memory_space<semaphore_mem>>) src(%dma_wait3A_97 : memref<114688xf32, #tpu.memory_space<hbm>>) dst(%dma_wait3A_93 : memref<128xf32, #tpu.memory_space<vmem>>)
    %scan3A = arith.constant 0 : i32
    %scan3A_98 = arith.constant 0 : i32
    %scan3A_99 = arith.constant 32 : i32
    %scan3A_100 = arith.addi %scan3A_98, %scan3A_99 : i32
    %scan3A_101 = arith.constant 1 : i32
    scf.for %scan3A_103 = %scan3A_98 to %scan3A_100 step %scan3A_101  : i32 {
      %mul3A_104 = arith.constant 16 : i32
      %mul3A_105 = arith.muli %scan3A_103, %mul3A_104 : i32
      %get3A = arith.index_cast %mul3A_105 : i32 to index
      %get3A_106 = tpu.vector_load %arg8[%get3A] {strides = array<i32>} : memref<512xf32, #tpu.memory_space<vmem>>, vector<16xf32>,
      %get3A_107 = arith.index_cast %mul3A_105 : i32 to index
      %get3A_108 = tpu.vector_load %arg9[%get3A_107] {strides = array<i32>} : memref<512xf32, #tpu.memory_space<vmem>>, vector<16xf32>,
      %add3A_109 = arith.addf %get3A_106, %get3A_108 : vector<16xf32>
      %swap3A = arith.index_cast %mul3A_105 : i32 to index
      %swap3A_110 = tpu.vector_load %arg10[%swap3A] {strides = array<i32>} : memref<512xf32, #tpu.memory_space<vmem>>, vector<16xf32>,
      tpu.vector_store %arg10[%swap3A], %add3A_109 {strides = array<i32>} : memref<512xf32, #tpu.memory_space<vmem>>, vector<16xf32>,
    }
    %scan3A_102 = arith.constant 32 : i32
    "tpu.region"() ({
      %run_scoped3A_103 = tpu.sem_alloc : memref<!tpu.dma_semaphore, #tpu.memory_space<semaphore_mem>>
      %dma_start3A_104 = tpu.memref_slice %arg5[%mul3A_2] : memref<16384xf32, #tpu.memory_space<hbm>> -> memref<512xf32, #tpu.memory_space<hbm>>
      %dma_start3A_105 = tpu.memref_slice %arg5[%mul3A_2] : memref<16384xf32, #tpu.memory_space<hbm>> -> memref<512xf32, #tpu.memory_space<hbm>>
      tpu.enqueue_dma source(%arg10 : memref<512xf32, #tpu.memory_space<vmem>>) target(%dma_start3A_105 : memref<512xf32, #tpu.memory_space<hbm>>) target_semaphore(%run_scoped3A_103 : memref<!tpu.dma_semaphore, #tpu.memory_space<semaphore_mem>>)
      %dma_wait3A_106 = tpu.memref_slice %arg5[%mul3A_2] : memref<16384xf32, #tpu.memory_space<hbm>> -> memref<512xf32, #tpu.memory_space<hbm>>
      %dma_wait3A_107 = tpu.memref_slice %arg5[%mul3A_2] : memref<16384xf32, #tpu.memory_space<hbm>> -> memref<512xf32, #tpu.memory_space<hbm>>
      tpu.wait_dma2 semaphore(%run_scoped3A_103 : memref<!tpu.dma_semaphore, #tpu.memory_space<semaphore_mem>>) src(%arg10 : memref<512xf32, #tpu.memory_space<vmem>>) dst(%dma_wait3A_107 : memref<512xf32, #tpu.memory_space<hbm>>)
      tpu.yield
    }) : () -> ()
    return
  }
}

module attributes {stable_mosaic.version = 14 : i64} {
  func.func @_tc_body(%arg0: i32, %arg1: memref<64x16384xf32, #tpu.memory_space<vmem>>, %arg2: memref<64x16384xf32, #tpu.memory_space<vmem>>, %arg3: memref<1x128xf32, #tpu.memory_space<vmem>>, %arg4: memref<1x1xf32, #tpu.memory_space<vmem>>, %arg5: memref<16384xf32, #tpu.memory_space<vmem>>, %arg6: memref<16384xf32, #tpu.memory_space<vmem>>) attributes {dimension_semantics = [#tpu.dimension_semantics<arbitrary>], iteration_bounds = array<i64: 7>, scalar_prefetch = 0 : i64, scratch_operands = 0 : i64, tpu.core_type = #tpu.core_type<tc>, window_params = [{transform_indices = @transform_0, window_bounds = array<i64: 64, 16384>}, {transform_indices = @transform_1, window_bounds = array<i64: 64, 16384>}, {pipeline_mode = #tpu.pipeline_mode<synchronous>, transform_indices = @transform_2, window_bounds = array<i64: 1, 128>}, {pipeline_mode = #tpu.pipeline_mode<synchronous>, transform_indices = @transform_3, window_bounds = array<i64: 1, 1>}, {transform_indices = @transform_4, window_bounds = array<i64: 16384>}, {transform_indices = @transform_5, window_bounds = array<i64: 16384>}]} {
    %get3A = arith.constant 0 : index
    %get3A_0 = arith.constant 0 : index
    %get3A_1 = vector.load %arg3[%get3A, %get3A_0] : memref<1x128xf32, #tpu.memory_space<vmem>>, vector<1x128xf32>
    %slice3A = vector.extract_strided_slice %get3A_1 {offsets = [0, 0], sizes = [1, 64], strides = [1, 1]} : vector<1x128xf32> to vector<1x64xf32>
    %get3A_2 = arith.constant 0 : index
    %get3A_3 = arith.constant 0 : index
    %get3A_4 = vector.load %arg1[%get3A_2, %get3A_3] : memref<64x16384xf32, #tpu.memory_space<vmem>>, vector<64x16384xf32>
    %dot_general3A = arith.constant dense<0.000000e+00> : vector<1x16384xf32>
    %dot_general3A_5 = tpu.matmul %slice3A, %get3A_4, %dot_general3A {dimension_numbers = #tpu.dot_dimension_numbers<[1], [0], [0], [1], [0, 0, 1, 1], [], []>, transpose_lhs_hint = false} : vector<1x64xf32>, vector<64x16384xf32>, vector<1x16384xf32> -> vector<1x16384xf32>
    %slice3A_6 = vector.extract_strided_slice %get3A_1 {offsets = [0, 64], sizes = [1, 64], strides = [1, 1]} : vector<1x128xf32> to vector<1x64xf32>
    %get3A_7 = arith.constant 0 : index
    %get3A_8 = arith.constant 0 : index
    %get3A_9 = vector.load %arg2[%get3A_7, %get3A_8] : memref<64x16384xf32, #tpu.memory_space<vmem>>, vector<64x16384xf32>
    %dot_general3A_10 = arith.constant dense<0.000000e+00> : vector<1x16384xf32>
    %dot_general3A_11 = tpu.matmul %slice3A_6, %get3A_9, %dot_general3A_10 {dimension_numbers = #tpu.dot_dimension_numbers<[1], [0], [0], [1], [0, 0, 1, 1], [], []>, transpose_lhs_hint = false} : vector<1x64xf32>, vector<64x16384xf32>, vector<1x16384xf32> -> vector<1x16384xf32>
    %get3A_12 = arith.constant 0 : index
    %get3A_13 = arith.constant 0 : index
    %get3A_14 = vector.load %arg4[%get3A_12, %get3A_13] : memref<1x1xf32, #tpu.memory_space<vmem>>, vector<1x1xf32>
    %get3A_15 = vector.extract %get3A_14[0, 0] : f32 from vector<1x1xf32>
    %add3A = vector.broadcast %get3A_15 : f32 to vector<1x16384xf32>
    %add3A_16 = arith.addf %dot_general3A_5, %add3A : vector<1x16384xf32>
    %reshape3A = vector.shape_cast %add3A_16 : vector<1x16384xf32> to vector<16384xf32>
    %swap3A = arith.constant 0 : index
    %swap3A_17 = vector.load %arg5[%swap3A] : memref<16384xf32, #tpu.memory_space<vmem>>, vector<16384xf32>
    tpu.vector_store %arg5[%swap3A], %reshape3A {strides = array<i32>} : memref<16384xf32, #tpu.memory_space<vmem>>, vector<16384xf32>,
    %reshape3A_18 = vector.shape_cast %dot_general3A_11 : vector<1x16384xf32> to vector<16384xf32>
    %swap3A_19 = arith.constant 0 : index
    %swap3A_20 = vector.load %arg6[%swap3A_19] : memref<16384xf32, #tpu.memory_space<vmem>>, vector<16384xf32>
    tpu.vector_store %arg6[%swap3A_19], %reshape3A_18 {strides = array<i32>} : memref<16384xf32, #tpu.memory_space<vmem>>, vector<16384xf32>,
    return
  }
  func.func @transform_0(%arg0: i32) -> (i32, i32) {
    %c0_i32 = arith.constant 0 : i32
    %c0_i32_0 = arith.constant 0 : i32
    return %c0_i32, %arg0 : i32, i32
  }
  func.func @transform_1(%arg0: i32) -> (i32, i32) {
    %c0_i32 = arith.constant 0 : i32
    %c0_i32_0 = arith.constant 0 : i32
    return %c0_i32, %arg0 : i32, i32
  }
  func.func @transform_2(%arg0: i32) -> (i32, i32) {
    %c0_i32 = arith.constant 0 : i32
    %c0_i32_0 = arith.constant 0 : i32
    %c0_i32_1 = arith.constant 0 : i32
    return %c0_i32, %c0_i32_0 : i32, i32
  }
  func.func @transform_3(%arg0: i32) -> (i32, i32) {
    %c0_i32 = arith.constant 0 : i32
    %c0_i32_0 = arith.constant 0 : i32
    %c0_i32_1 = arith.constant 0 : i32
    return %c0_i32, %c0_i32_0 : i32, i32
  }
  func.func @transform_4(%arg0: i32) -> i32 {
    %c0_i32 = arith.constant 0 : i32
    return %arg0 : i32
  }
  func.func @transform_5(%arg0: i32) -> i32 {
    %c0_i32 = arith.constant 0 : i32
    return %arg0 : i32
  }
}

</mosaic_0001>

<sc_bundles>
// kernel: kernel.4.cloned.1.call-start
scs
__scs_entry_jumppad:
0x0: {  	(pc) =	sbr.rel $0x88, $3  }
0x1: {  	(tag) =	ssettag $0x0;
	lr =	simm.s32 $0x1  }
0x2: {  	[smem:$0x3F9C] =	sst lr;
	_ =	strace $0xD0000000  }
0x3: {  	_ = 	snop  }
0x4: {  	_ = 	snop  }
0x5: {  	_ = 	snop  }
0x6: {  	_ = 	snop  }
0x7: {  	_ = 	snop  }
__scs_overlays_trampoline_lowered:
0x8: {  	[smem:$0x3FAB] =	sst s0  }
0x9: {  	[smem:$0x3FAC] =	sst s1  }
0xa: {  	[smem:$0x3FAD] =	sst s2  }
0xb: {  	[smem:$0x3FAE] =	sst s3  }
0xc: {  	[smem:$0x3FAF] =	sst s4  }
0xd: {  	[smem:$0x3FB0] =	sst s5  }
0xe: {  	[smem:$0x3FB1] =	sst s6  }
0xf: {  	[smem:$0x3FB2] =	sst s7  }
0x10: {  	[smem:$0x3FB3] =	sst s8  }
0x11: {  	[smem:$0x3FB4] =	sst s9;
	s0 =	simm.s32 @!p0 $0x0  }
0x12: {  	s1 =	sld [smem:$0x3F9A];
	s0 =	simm.s32 @p0 $0x1  }
0x13: {  	[smem:$0x3FB5] =	sst s0;
	s0 =	simm.s32 @!p1 $0x0  }
0x14: {  	s2 =	sld [smem:$0x3F99];
	s0 =	simm.s32 @p1 $0x1  }
0x15: {  	[smem:$0x3FB6] =	sst s0;
	s0 =	simm.s32 @!p2 $0x0  }
0x16: {  	s3 =	sld [smem:$0x3FDB];
	s0 =	simm.s32 @p2 $0x1  }
0x17: {  	s4 =	simm.s32 $0x1BF5;
	[smem:$0x3FB8] =	sst s0  }
0x18: {  	s0 =	sld [smem:$0x3F9B];
	_ =	swait.ge [sflag:s4], $0x0  }
0x19: {  	s7 =	sld [smem:$0x3F9C]  }
0x1a: {  	s8 =	sadd.s32 $0xFFFFE003, lr  }
0x1b: {  	s9 =	sadd.s32 $0xFFFFFEF7, lr;
	s5 =	simm.s32 $0xFFFFFFFF;
	p2 =	slt.u32 s8, $0xFFFFF086  }
0x1c: {  	p1 =	slt.u32 s9, $0xF7A;
	s5 =	simm.s32 @!p2 $0x0  }
0x1d: {  	s5 =	simm.s32 @p1 $0x1;
	p0 =	seq.s32 s7, s2  }
0x1e: {  	s7 =	smul.u32 @!p0 $0xF7A, s2;
	p2 =	seq.s32 @!p0 s5, $0x0  }
0x1f: {  	s9 =	smul.u32 $0xF7A, s1;
	s8 =	simm.s32 @!p0 $0x1BF5;
	p2 =	por !p2, p0  }
0x20: {  	[sflag:s8] =	ssyncset.s32 @!p0 $0xFFFFF086;
	s6 =	sadd.s32 @!p0 s3, s7;
	s7 =	simm.s32 @!p0 $0x108  }
0x21: {  	s3 =	sadd.s32 s3, s9;
	s6 =	sadd.s32 @!p0 $0x88, s6;
	s7 =	simm.s32 @p2 $0x1082  }
0x22: {  	[simem:s7], [sflag:s8] =	dma.local @!p0 [hbm:s6], $0xF7A  }
0x23: {  	s9 =	sor.u32 $0xD0000000, s2;
	s6 =	simm.s32 $0x108;
	_ =	swait.ge @!p0 [sflag:s8], $0x0  }
0x24: {  	s3 =	sadd.s32 $0x88, s3;
	s6 =	simm.s32 @!p1 $0x1082;
	[sflag:s4] =	ssyncset.s32 $0xFFFFF086  }
0x25: {  	[simem:s6], [sflag:s4] =	dma.local [hbm:s3], $0xF7A  }
0x26: {  	[smem:$0x3F9C] =	sst s1;
	(tag) =	ssettag s2;
	_ =	strace s9  }
0x27: {  	s1 =	sld [smem:$0x3FAC]  }
0x28: {  	s2 =	sld [smem:$0x3FAD]  }
0x29: {  	s4 =	sld [smem:$0x3FAF]  }
0x2a: {  	p0 =	seq.s32 s5, $0x0;
	s5 =	sld [smem:$0x3FB0]  }
0x2b: {  	s6 =	sld [smem:$0x3FB1]  }
0x2c: {  	s7 =	sld [smem:$0x3FB2]  }
0x2d: {  	s3 =	simm.s32 $0x108;
	s8 =	sld [smem:$0x3FB3]  }
0x2e: {  	s3 =	simm.s32 @!p0 $0x1082;
	s9 =	sld [smem:$0x3FB4]  }
0x2f: {  	lr =	sadd.s32 s0, s3;
	s0 =	sld [smem:$0x3FAB]  }
0x30: {  	s3 =	sld [smem:$0x3FAE]  }
0x31: {  	[smem:$0x3FB7] =	sst s10  }
0x32: {  	s10 =	sld [smem:$0x3FB5];
	_ =	sdelay $0x3  }
0x33: {  	p0 =	seq.s32 s10, $0x1;
	s10 =	sld [smem:$0x3FB7];
	_ =	sdelay $0x3  }
0x34: {  	[smem:$0x3FB7] =	sst s10  }
0x35: {  	s10 =	sld [smem:$0x3FB6];
	_ =	sdelay $0x3  }
0x36: {  	p1 =	seq.s32 s10, $0x1;
	s10 =	sld [smem:$0x3FB7];
	_ =	sdelay $0x3  }
0x37: {  	[smem:$0x3FB7] =	sst s10  }
0x38: {  	s10 =	sld [smem:$0x3FB8]  }
0x39: {  	_ = 	snop;
	(pc) =	sbr.ind lr, $3  }
0x3a: {  	_ = 	snop  }
0x3b: {  	_ = 	snop  }
0x3c: {  	p2 =	seq.s32 s10, $0x1;
	s10 =	sld [smem:$0x3FB7]  }
0x3d: {  	_ =	shalt  }
0x3e: {  	_ =	shalt  }
0x3f: {  	_ =	shalt  }
0x40: {  	_ =	shalt  }
0x41: {  	_ =	shalt  }
0x42: {  	_ =	shalt  }
0x43: {  	_ =	shalt  }
0x44: {  	_ =	shalt  }
0x45: {  	_ =	shalt  }
0x46: {  	_ =	shalt  }
0x47: {  	_ =	shalt  }
0x48: {  	_ =	shalt  }
0x49: {  	_ =	shalt  }
0x4a: {  	_ =	shalt  }
0x4b: {  	_ =	shalt  }
0x4c: {  	_ =	shalt  }
0x4d: {  	_ =	shalt  }
0x4e: {  	_ =	shalt  }
0x4f: {  	_ =	shalt  }
0x50: {  	_ =	shalt  }
0x51: {  	_ =	shalt  }
0x52: {  	_ =	shalt  }
0x53: {  	_ =	shalt  }
0x54: {  	_ =	shalt  }
0x55: {  	_ =	shalt  }
0x56: {  	_ =	shalt  }
0x57: {  	_ =	shalt  }
0x58: {  	_ =	shalt  }
0x59: {  	_ =	shalt  }
0x5a: {  	_ =	shalt  }
0x5b: {  	_ =	shalt  }
0x5c: {  	_ =	shalt  }
0x5d: {  	_ =	shalt  }
0x5e: {  	_ =	shalt  }
0x5f: {  	_ =	shalt  }
0x60: {  	_ =	shalt  }
0x61: {  	_ =	shalt  }
0x62: {  	_ =	shalt  }
0x63: {  	_ =	shalt  }
0x64: {  	_ =	shalt  }
0x65: {  	_ =	shalt  }
0x66: {  	_ =	shalt  }
0x67: {  	_ =	shalt  }
0x68: {  	_ =	shalt  }
0x69: {  	_ =	shalt  }
0x6a: {  	_ =	shalt  }
0x6b: {  	_ =	shalt  }
0x6c: {  	_ =	shalt  }
0x6d: {  	_ =	shalt  }
0x6e: {  	_ =	shalt  }
0x6f: {  	_ =	shalt  }
0x70: {  	_ =	shalt  }
0x71: {  	_ =	shalt  }
0x72: {  	_ =	shalt  }
0x73: {  	_ =	shalt  }
0x74: {  	_ =	shalt  }
0x75: {  	_ =	shalt  }
0x76: {  	_ =	shalt  }
0x77: {  	_ =	shalt  }
0x78: {  	_ =	shalt  }
0x79: {  	_ =	shalt  }
0x7a: {  	_ =	shalt  }
0x7b: {  	_ =	shalt  }
0x7c: {  	_ =	shalt  }
0x7d: {  	_ =	shalt  }
0x7e: {  	_ =	shalt  }
0x7f: {  	_ =	shalt  }
0x80: {  	_ =	shalt  }
0x81: {  	_ =	shalt  }
0x82: {  	_ =	shalt  }
0x83: {  	_ =	shalt  }
0x84: {  	_ =	shalt  }
0x85: {  	_ =	shalt  }
0x86: {  	_ =	shalt  }
0x87: {  	_ =	shalt  }
.Lfunc_end0:
.L_simem_size_0:
called_computation_lowered:
.L_overlay_start_0:
0x88: {  	s2 =	sld [smem:$0x3FD9]  }
0x89: {  	s3 =	sld [smem:$0x3FFE];
	_ =	sdelay $0x1  }
0x8a: {  	s1 =	srdreg.scid  }
0x8b: {  	s0 =	sand.u32 $0x1, s1  }
0x8c: {  	s17 =	sshll.u32 s0, $0xA;
	s2 =	sadd.s32 s3, s2  }
0x8d: {  	s2 =	sadd.s32 s2, s17  }
0x8e: {  	[smem:$0x3FC3] =	sst s2  }
0x8f: {  	_ = 	snop  }
0x90: {  	s2 =	sld [smem:$0x3FD0];
	(tm) =	ssettm $0x1  }
0x91: {  	s18 =	sld [smem:$0x3FFB];
	_ =	sdelay $0x3  }
0x92: {  	_ =	strace s18  }
0x93: {  	s3 =	sld [smem:$0x3FFC];
	_ =	sdelay $0x3  }
0x94: {  	_ =	strace s3  }
0x95: {  	s3 =	sld [smem:$0x3FFD];
	_ =	sdelay $0x3  }
0x96: {  	_ =	strace s3  }
0x97: {  	_ =	strace $0x8FFFFFFF  }
0x98: {  	s19 =	sld [smem:$0x3FDB];
	_ =	sdelay $0x1  }
0x99: {  	s4 =	simm.s32 $_scs_section_size  }
0x9a: {  	s5 =	simm.s32 $_size__tile_overlayer_lowered;
	s6 =	simm.s32 $_tile_overlayer_lowered  }
0x9b: {  	s22 =	simm.s32 $0x1BFF;
	s21 =	sshll.u32 s6, $0x1;
	s3 =	sadd.s32 s4, s19  }
0x9c: {  	s7 =	simm.s32 $0x0;
	s20 =	sshll.u32 s5, $0x1;
	s5 =	sadd.s32 s21, s3  }
0x9d: {  	[timem:s7], [sflag:s22] =	dma.local [hbm:s5], s20  }
0x9e: {  	_ =	swait.ge [sflag:s22], s20  }
0x9f: {  	s4 =	ssub.s32 $0x0, s20;
	[sflag:s22] =	ssyncset.done $0x0  }
0xa0: {  	[sflag:s22] =	ssyncadd.s32 s4;
	_ =	sdelay $0x1  }
0xa1: {  	s23 =	simm.s32 $0x1B8B  }
0xa2: {  	_ =	swait.ge [sflag:s23], $0x1  }
0xa3: {  	[sflag:s23] =	ssyncset.done $0x0  }
0xa4: {  	s25 =	simm.s32 $0x1B8E;
	s24 =	sld [smem:$0x3FFE];
	[sflag:s23] =	ssyncadd.s32 $0xFFFFFFFF  }
0xa5: {  	s26 =	simm.s32 $execute0_lowered;
	[smem:$0x3FD2] =	sst s25  }
0xa6: {  	s5 =	sshll.u32 s26, $0x1;
	_ =	strace $0x80000046;
	[dreg:$0x1] =	wrdreg $0xFFFFFFFF  }
0xa7: {  	s28 =	simm.s32 $_size_execute0_lowered;
	s3 =	sadd.s32 s3, s5;
	[dreg:$0x0] =	wrdreg $0x0  }
0xa8: {  	s5 =	sshll.u32 s28, $0x1;
	[dreg:$0x2] =	wrdreg s3  }
0xa9: {  	[dreg:$0x3] =	wrdreg s5  }
0xaa: {  	[dreg:$0x4] =	wrdreg $0xC0  }
0xab: {  	_ =	task [dreg:s7], $0x5FFFF  }
0xac: {  	[dreg:$0x1] =	wrdreg $0xFFFFFFFF  }
0xad: {  	[dreg:$0x0] =	wrdreg $0x60  }
0xae: {  	[dreg:$0x2] =	wrdreg s24  }
0xaf: {  	[dreg:$0x3] =	wrdreg s2  }
0xb0: {  	[dreg:$0x4] =	wrdreg $0x9  }
0xb1: {  	_ =	task.clear_ibuf [dreg:s7], $0x5FFFF;
	_ =	strace $0x90000046  }
0xb2: {  	s29 =	simm.s32 $0x9;
	_ =	strace $0x80000048  }
0xb3: {  	_ =	swait.ge [sflag:s29], $0x1  }
0xb4: {  	[sflag:s29] =	ssyncadd.s32 $0xFFFFFFFF  }
0xb5: {  	_ =	strace $0x90000048  }
0xb6: {  	_ =	sfence  }
0xb7: {  	s30 =	sld [smem:$0x0];
	_ =	sdelay $0x2  }
0xb8: {  	s31 =	sshll.u32 s1, $0xD;
	s1 =	sshrl.u32 s1, $0x2  }
0xb9: {  	s3 =	sand.u32 $0x4000, s31;
	s1 =	sadd.s32 s1, s30  }
0xba: {  	s0 =	sor.u32 s3, s0;
	s1 =	sshll.u32 s1, $0x11  }
0xbb: {  	s0 =	sor.u32 s1, s0  }
0xbc: {  	s0 =	sadd.s32 $0x8F2B, s0  }
0xbd: {  	[sflag:s0] =	ssyncadd.remote.s32 $0x1  }
0xbe: {  	_ =	sfence.sel $0xFFFF  }
0xbf: {  	[dreg:$0x0] =	wrdreg $0xFFFFFFFF;
	(pc) =	sbr.abs _section_cstart, $3  }
0xc0: {  	[dreg:$0x1] =	wrdreg $0xFFFFFFFF  }
0xc1: {  	_ =	task.clear_ibuf [dreg:s7], $0x2FFFF;
	_ =	strace $0x9FFFFFFF  }
0xc2: {  	(tm) =	ssettm $0x7FFFFFFF  }
0xc3: {  	_ =	shalt  }
tec
execute0_lowered:
.L_overlay_start_1:
0x0: {  	(tag) =	ssettag $0x1  }
0x1: {  	s4 =	rddreg [dreg:$0x0]  }
0x2: {  	s7 =	rddreg [dreg:$0x1];
	s2 =	srdreg.scid  }
0x3: {  	s0 =	rddreg [dreg:$0x2];
	s1 =	stileid.u32  }
0x4: {  	s10 =	simm.s32 $0x200;
	s11 =	simm.s32 $0x80;
	s12 =	simm.s32 $0x400  }
0x5: {  	s13 =	simm.s32 $0x600;
	s14 =	simm.s32 $0x480;
	s15 =	simm.s32 $0x280  }
0x6: {  	s16 =	simm.s32 $0x680;
	s17 =	simm.s32 $0x100;
	s18 =	simm.s32 $0x500  }
0x7: {  	s19 =	simm.s32 $0x300;
	s20 =	simm.s32 $0x700;
	s21 =	simm.s32 $0x180  }
0x8: {  	s22 =	simm.s32 $0x580;
	s23 =	simm.s32 $0x380;
	s24 =	simm.s32 $0x780  }
0x9: {  	s25 =	simm.s32 $0x1;
	s26 =	simm.s32 $0x800;
	s28 =	simm.s32 $0x0  }
0xa: {  	s3 =	sand.u32 $0x1, s2;
	s2 =	simm.s32 $0x0;
	s5 =	sshll.u32 s1, $0x7  }
0xb: {  	s6 =	sshll.u32 s3, $0x6;
	[smem:$0x7FF] =	sst s2;
	s31 =	ssub.s32 $0x2, s3  }
0xc: {  	s3 =	sadd.s32 $0x1C00, s4;
	s8 =	sor.u32 s6, s5;
	_ =	strace $0x80000047  }
0xd: {  	s9 =	sshrl.u32 s31, $0x1;
	s6 =	sadd.s32 s8, s4;
	s4 =	sadd.s32 $0x5400, s4  }
0xe: {  	s9 =	ssub.s32 s31, s9;
	s7 =	sadd.s32 s7, s8;
	s5 =	sadd.s32 $0xC00, s6  }
0xf: {  	s6 =	sadd.s32 $0x1400, s6;
	s8 =	smax.u32 s9, $0x1;
	s9 =	simm.s32 $0x2  }
.LBB2_1:
0x10: {  	[tilespmem:s2], [sflag:$0x2] =	stream.linear.gather [hbm4b:s5+s2], $0x200, $0x38;
	[tilespmem:$0xA00] =	vst v63  }
0x11: {  	_ =	swait.ge [sflag:s9], $0x200  }
0x12: {  	[sflag:s9] =	ssyncset.done $0x0  }
0x13: {  	[sflag:s9] =	ssyncadd.s32 $0xFFFFFE00  }
0x14: {  	[tilespmem:s10], [sflag:$0x2] =	stream.linear.gather [hbm4b:s6+s2], $0x200, $0x38;
	[tilespmem:$0xA00] =	vst v63  }
0x15: {  	_ =	swait.ge [sflag:s9], $0x200  }
0x16: {  	[sflag:s9] =	ssyncset.done $0x0  }
0x17: {  	[sflag:s9] =	ssyncadd.s32 $0xFFFFFE00  }
0x18: {  	[tilespmem:s12], [sflag:$0x1] =	stream.indirect.gather [hbm4b:s3+s11], $0x1, s2, s11, $0xb8;
	[tilespmem:$0xA00] =	vst v63  }
0x19: {  	_ = 	snop  }
0x1a: {  	[tilespmem:s13], [sflag:$0x1] =	stream.indirect.gather [hbm4b:s4+s11], $0x1, s10, s11, $0xb8;
	[tilespmem:$0xA00] =	vst v63  }
0x1b: {  	_ = 	snop  }
0x1c: {  	[tilespmem:s14], [sflag:$0x1] =	stream.indirect.gather [hbm4b:s3+s11], $0x1, s11, s11, $0xb8;
	[tilespmem:$0xA00] =	vst v63  }
0x1d: {  	_ = 	snop  }
0x1e: {  	[tilespmem:s16], [sflag:$0x1] =	stream.indirect.gather [hbm4b:s4+s11], $0x1, s15, s11, $0xb8;
	[tilespmem:$0xA00] =	vst v63  }
0x1f: {  	_ = 	snop  }
0x20: {  	[tilespmem:s18], [sflag:$0x1] =	stream.indirect.gather [hbm4b:s3+s11], $0x1, s17, s11, $0xb8;
	[tilespmem:$0xA00] =	vst v63  }
0x21: {  	_ = 	snop  }
0x22: {  	[tilespmem:s20], [sflag:$0x1] =	stream.indirect.gather [hbm4b:s4+s11], $0x1, s19, s11, $0xb8;
	[tilespmem:$0xA00] =	vst v63  }
0x23: {  	_ = 	snop  }
0x24: {  	[tilespmem:s22], [sflag:$0x1] =	stream.indirect.gather [hbm4b:s3+s11], $0x1, s21, s11, $0xb8;
	[tilespmem:$0xA00] =	vst v63  }
0x25: {  	_ = 	snop  }
0x26: {  	[tilespmem:s24], [sflag:$0x1] =	stream.indirect.gather [hbm4b:s4+s11], $0x1, s23, s11, $0xb8;
	[tilespmem:$0xA00] =	vst v63  }
0x27: {  	_ =	swait.ge [sflag:s25], $0x80  }
0x28: {  	[sflag:s25] =	ssyncset.done $0x0  }
0x29: {  	[sflag:s25] =	ssyncadd.s32 $0xFFFFFF80  }
0x2a: {  	_ =	swait.ge [sflag:s25], $0x80  }
0x2b: {  	[sflag:s25] =	ssyncset.done $0x0  }
0x2c: {  	[sflag:s25] =	ssyncadd.s32 $0xFFFFFF80  }
0x2d: {  	_ =	swait.ge [sflag:s25], $0x80  }
0x2e: {  	[sflag:s25] =	ssyncset.done $0x0  }
0x2f: {  	[sflag:s25] =	ssyncadd.s32 $0xFFFFFF80  }
0x30: {  	_ =	swait.ge [sflag:s25], $0x80  }
0x31: {  	[sflag:s25] =	ssyncset.done $0x0  }
0x32: {  	[sflag:s25] =	ssyncadd.s32 $0xFFFFFF80  }
0x33: {  	_ =	swait.ge [sflag:s25], $0x80  }
0x34: {  	[sflag:s25] =	ssyncset.done $0x0  }
0x35: {  	[sflag:s25] =	ssyncadd.s32 $0xFFFFFF80  }
0x36: {  	_ =	swait.ge [sflag:s25], $0x80  }
0x37: {  	[sflag:s25] =	ssyncset.done $0x0  }
0x38: {  	[sflag:s25] =	ssyncadd.s32 $0xFFFFFF80  }
0x39: {  	_ =	swait.ge [sflag:s25], $0x80  }
0x3a: {  	[sflag:s25] =	ssyncset.done $0x0  }
0x3b: {  	[sflag:s25] =	ssyncadd.s32 $0xFFFFFF80  }
0x3c: {  	_ =	swait.ge [sflag:s25], $0x80  }
0x3d: {  	[sflag:s25] =	ssyncset.done $0x0  }
0x3e: {  	s29 =	simm.s32 $0x0;
	[sflag:s25] =	ssyncadd.s32 $0xFFFFFF80  }
0x3f: {  	v0 =	vld [tilespmem:s29+$0x400]  }
0x40: {  	s30 =	simm.s32 $0x40;
	v1 =	vld [tilespmem:s29+$0x600]  }
.LBB2_2:
0x41: {  	_ = 	snop  }
0x42: {  	p0 =	sne.s32 s30, $0x7C0  }
.Ltmp0:
0x43: {  	_ = 	snop;
	(pc) =	sbr.rel @p0 .LBB2_2-.Ltmp0, $4  }
0x44: {  	_ = 	snop  }
0x45: {  	s31 =	sshra.s32 s30, $0x2;
	v2 =	vadd.f32 v1, v0  }
0x46: {  	v0 =	vld [tilespmem:s31+$0x400]  }
0x47: {  	s30 =	sadd.s32 $0x40, s30;
	v1 =	vld [tilespmem:s31+$0x600];
	[tilespmem:s29+$0x800] =	vst v2;
	s29 =	smov.u32 s31  }
0x48: {  	_ =	sdelay $0x3  }
0x49: {  	s28 =	sadd.s32 $0x1, s28;
	v0 =	vadd.f32 v1, v0  }
0x4a: {  	p0 =	sne.s32 s28, s8  }
.Ltmp1:
0x4b: {  	[tilespmem:s29+$0x800] =	vst v0;
	(pc) =	sbr.rel @p0 .LBB2_1-.Ltmp1, $4  }
0x4c: {  	[hbm4b:s7+s2] =	stream.linear.scatter [tilespmem:s26], [sflag:$0x2], $0x200, $0x38;
	[tilespmem:$0xA00] =	vst v63  }
0x4d: {  	_ =	swait.ge [sflag:s9], $0x200  }
0x4e: {  	[sflag:s9] =	ssyncset.done $0x0  }
0x4f: {  	[sflag:s9] =	ssyncadd.s32 $0xFFFFFE00  }
0x50: {  	_ =	sfence.sel $0x180000  }
0x51: {  	[bflag:$0x0] =	sbarrier.arrive $0xFFFF  }
0x52: {  	p0 =	sne.s32 s1, $0x0;
	_ =	strace $0x90000047  }
0x53: {  	s0 =	sadd.s32 @!p0 $0x100000, s0;
	[bflag:$0x2] =	sbarrier.arrive $0xFFFF  }
0x54: {  	[sflag:s0] =	ssyncadd.tile.s32 @!p0 $0x1;
	_ =	shalt  }
.Lfunc_end2:
_tile_overlayer_lowered:
.L_overlay_start_2:
0x55: {  	(tag) =	ssettag $0x2  }
0x56: {  	s0 =	rddreg [dreg:$0x0];
	s2 =	stileid.u32  }
0x57: {  	s1 =	rddreg [dreg:$0x1];
	p0 =	sne.s32 s2, $0x0  }
0x58: {  	s3 =	rddreg [dreg:$0x2];
	[bflag:$0x3] =	sbarrier.arrive $0xFFFF;
	s2 =	simm.s32 @!p0 $0x1C02  }
0x59: {  	[timem:s3], [sflag:s2] =	dma.local @!p0 [hbm:s0], s1  }
0x5a: {  	s0 =	simm.s32 @!p0 $0x2  }
0x5b: {  	_ =	swait.ge @!p0 [sflag:s0], s1  }
0x5c: {  	s1 =	ssub.s32 @!p0 $0x0, s1;
	[sflag:s0] =	ssyncset.done @!p0 $0x0  }
0x5d: {  	[sflag:s0] =	ssyncadd.s32 @!p0 s1  }
0x5e: {  	[bflag:$0x3] =	sbarrier.arrive $0xFFFF  }
0x5f: {  	_ =	shalt  }

</sc_bundles>
